<compile_context>
chip_gen: v7x
topology: tpu7x:2x2x1
jax: 0.10.2.dev20260603
libtpu: 0.0.44.dev20260713+nightly
codegen_flags: <defaults>
</compile_context>

<pallas_src>
import functools

import jax
import jax.numpy as jnp
from jax import lax
from jax.experimental import pallas as pl
from jax.experimental.pallas import tpu as pltpu
import jax.experimental.pallas.tpu_sc as plsc

T_TILE = 1024
K_CHUNK = 2048


def _encode_body(z_ref, w_in_ref, b_in_ref, cbt_ref, idx_ref):
    ze = lax.dot_general(w_in_ref[...], z_ref[...], (((1,), (0,)), ((), ())),
                         preferred_element_type=jnp.float32)
    ze = ze + b_in_ref[...]
    s2 = jnp.sum(ze * ze, axis=0, keepdims=True)
    n = jnp.maximum(jnp.sqrt(s2), 1e-12)
    en = ze / n
    t1 = jnp.sum(en * en, axis=0, keepdims=True).T

    cbt = cbt_ref[...]
    m2 = jnp.sum(cbt * cbt, axis=0, keepdims=True)
    m = jnp.maximum(jnp.sqrt(m2), 1e-12)
    cn = cbt / m
    t3 = jnp.sum(cn * cn, axis=0, keepdims=True)

    k = cbt.shape[1]
    rev = lax.broadcasted_iota(jnp.int32, (T_TILE, K_CHUNK), 1)
    rev = K_CHUNK - rev
    best = jnp.full((T_TILE,), jnp.inf, jnp.float32)
    bidx = jnp.zeros((T_TILE,), jnp.int32)
    for c in range(k // K_CHUNK):
        cn_c = cn[:, c * K_CHUNK:(c + 1) * K_CHUNK]
        t3_c = t3[:, c * K_CHUNK:(c + 1) * K_CHUNK]
        sim = lax.dot_general(en, cn_c, (((0,), (0,)), ((), ())),
                              preferred_element_type=jnp.float32)
        dist = (t1 - 2.0 * sim) + t3_c
        mn = jnp.min(dist, axis=1)
        hit = dist <= mn[:, None]
        a = K_CHUNK - jnp.max(jnp.where(hit, rev, 0), axis=1)
        a = a + c * K_CHUNK
        take = mn < best
        best = jnp.where(take, mn, best)
        bidx = jnp.where(take, a, bidx)
    idx_ref[...] = bidx[None, None, :]


def _encode(z, w_in, b_in, cbt):
    t = z.shape[1]
    n_t = t // T_TILE
    idx = pl.pallas_call(
        _encode_body,
        grid=(n_t,),
        in_specs=[
            pl.BlockSpec((z.shape[0], T_TILE), lambda i: (0, i)),
            pl.BlockSpec(w_in.shape, lambda i: (0, 0)),
            pl.BlockSpec((w_in.shape[0], 1), lambda i: (0, 0)),
            pl.BlockSpec(cbt.shape, lambda i: (0, 0)),
        ],
        out_specs=pl.BlockSpec((1, 1, T_TILE), lambda i: (i, 0, 0)),
        out_shape=jax.ShapeDtypeStruct((n_t, 1, T_TILE), jnp.int32),
    )(z, w_in, b_in, cbt)
    return idx.reshape(t)


def _make_gather(v, d, b):
    info = plsc.get_sparse_core_info()
    nw = info.num_cores * info.num_subcores
    b_per_w = b // nw
    mesh = plsc.VectorSubcoreMesh(core_axis_name="c", subcore_axis_name="s")

    @functools.partial(
        pl.kernel, mesh=mesh,
        compiler_params=pltpu.CompilerParams(use_tc_tiling_on_sc=False),
        out_type=jax.ShapeDtypeStruct((b, d), jnp.float32),
        scratch_types=[
            pltpu.VMEM((b_per_w,), jnp.int32),
            pltpu.VMEM((b_per_w, d), jnp.float32),
            pltpu.SemaphoreType.DMA,
        ],
    )
    def gather(table_hbm, idx_hbm, out_hbm, idx_v, rows_v, sem):
        wid = lax.axis_index("s") * info.num_cores + lax.axis_index("c")
        base = wid * b_per_w
        pltpu.sync_copy(idx_hbm.at[pl.ds(base, b_per_w)], idx_v)
        pltpu.async_copy(table_hbm.at[idx_v], rows_v, sem).wait()
        pltpu.sync_copy(rows_v, out_hbm.at[pl.ds(base, b_per_w)])

    return gather


def _decode_body(rows_ref, w_out_ref, b_out_ref, out_ref):
    out = lax.dot_general(w_out_ref[...], rows_ref[...],
                          (((1,), (1,)), ((), ())),
                          preferred_element_type=jnp.float32)
    out_ref[...] = out + b_out_ref[...]


def _decode(rows, w_out, b_out):
    t = rows.shape[0]
    n_t = t // T_TILE
    return pl.pallas_call(
        _decode_body,
        grid=(n_t,),
        in_specs=[
            pl.BlockSpec((T_TILE, rows.shape[1]), lambda i: (i, 0)),
            pl.BlockSpec(w_out.shape, lambda i: (0, 0)),
            pl.BlockSpec((w_out.shape[0], 1), lambda i: (0, 0)),
        ],
        out_specs=pl.BlockSpec((w_out.shape[0], T_TILE), lambda i: (0, i)),
        out_shape=jax.ShapeDtypeStruct((w_out.shape[0], t), jnp.float32),
    )(rows, w_out, b_out)


def kernel(z, W_in, b_in, W_out, b_out, codebook):
    t = z.shape[1]
    indices = _encode(z, W_in, b_in.reshape(-1, 1), codebook.T)
    rows = _make_gather(codebook.shape[0], codebook.shape[1], t)(
        codebook, indices)
    z_q = _decode(rows, W_out, b_out.reshape(-1, 1))
    return (z_q, indices)

# --- scband reference (transcript-rebuilt; emitter-appended) ---
"""Pipeline reference for scband-vector-quantize-20667382629200 (READ-ONLY COPY).

The authoritative reference and input builder live on the scoring server;
editing this copy changes nothing except your own understanding.
"""

import jax, jax.numpy as jnp
import numpy as np


def _normalize(x):
    n = jnp.clip(jnp.linalg.norm(x, axis=-1, keepdims=True), 1e-12)
    return x / n


def setup_inputs(seed: int = 0) -> dict:
    key = jax.random.key(seed)
    ks = jax.random.split(key, 4)
    input_dim, codebook_dim, K, T = 768, 32, 8192, 16384
    z = jax.random.normal(ks[0], (input_dim, T), dtype=jnp.float32)
    # WeightNorm conv1d with kernel_size=1 is equivalent to a (normalized) linear map;
    # materialize the effective weights directly.
    W_in = jax.random.normal(ks[1], (codebook_dim, input_dim), dtype=jnp.float32) * 0.02
    b_in = jnp.zeros((codebook_dim,), dtype=jnp.float32)
    W_out = jax.random.normal(ks[2], (input_dim, codebook_dim), dtype=jnp.float32) * 0.02
    b_out = jnp.zeros((input_dim,), dtype=jnp.float32)
    codebook = jax.random.normal(ks[3], (K, codebook_dim), dtype=jnp.float32)
    return {"z": z, "W_in": W_in, "b_in": b_in, "W_out": W_out, "b_out": b_out, "codebook": codebook}


def reference(z, W_in, b_in, W_out, b_out, codebook):
    # stride == 1, so no pooling / repeat
    # in_proj (1x1 conv == matmul over channel dim)
    z_e = W_in @ z + b_in[:, None]  # [codebook_dim, T]
    # decode_latents
    encodings = z_e.T  # [T, codebook_dim]
    enc_n = _normalize(encodings)
    cb_n = _normalize(codebook)
    term1 = jnp.sum(jnp.square(enc_n), axis=1, keepdims=True)          # [T, 1]
    term2 = 2.0 * (enc_n @ cb_n.T)                                     # [T, K]
    term3 = jnp.sum(jnp.square(cb_n), axis=1, keepdims=True).T         # [1, K]
    dist = term1 - term2 + term3
    indices = jnp.argmax(-dist, axis=1)                                # [T]
    z_q = jnp.take(codebook, indices, axis=0).T                        # [codebook_dim, T] (decode_code uses raw codebook)
    # straight-through estimator
    z_q = z_e + jax.lax.stop_gradient(z_q - z_e)
    # out_proj
    z_q = W_out @ z_q + b_out[:, None]                                 # [input_dim, T]
    return (z_q, indices)

if __name__ == "__main__":
    import jax
    _d = setup_inputs()
    print(jax.jit(kernel)(*tuple(_d.values())))

</pallas_src>

<mosaic_0001>
#map = affine_map<(d0, d1) -> (0, 0)>
#map1 = affine_map<(d0, d1) -> (0)>
module attributes {stable_mosaic.version = 14 : i64} {
  func.func @gather(%arg0: i32, %arg1: i32, %arg2: memref<8192x32xf32, #tpu.memory_space<hbm>>, %arg3: memref<16384xi32, #tpu.memory_space<hbm>>, %arg4: memref<16384x32xf32, #tpu.memory_space<hbm>>, %arg5: memref<512xi32, #tpu.memory_space<vmem>>, %arg6: memref<512x32xf32, #tpu.memory_space<vmem>>, %arg7: memref<!tpu.dma_semaphore, #tpu.memory_space<semaphore_mem>>) attributes {dimension_semantics = [#tpu.dimension_semantics<core_parallel>, #tpu.dimension_semantics<subcore_parallel>], iteration_bounds = array<i64: 2, 16>, scalar_prefetch = 0 : i64, scratch_operands = 3 : i64, tpu.core_type = #tpu.core_type<sc_vector_subcore>, window_params = [{transform_indices = #map}, {transform_indices = #map1}, {transform_indices = #map}]} {
    %mul3A = arith.constant 2 : i32
    %mul3A_0 = arith.muli %arg1, %mul3A : i32
    %add3A = arith.addi %mul3A_0, %arg0 : i32
    %mul3A_1 = arith.constant 512 : i32
    %mul3A_2 = arith.muli %add3A, %mul3A_1 : i32
    "tpu.region"() ({
      %run_scoped3A = tpu.sem_alloc : memref<!tpu.dma_semaphore, #tpu.memory_space<semaphore_mem>>
      %dma_start3A_7 = tpu.memref_slice %arg3[%mul3A_2] : memref<16384xi32, #tpu.memory_space<hbm>> -> memref<512xi32, #tpu.memory_space<hbm>>
      %dma_start3A_8 = tpu.memref_slice %arg3[%mul3A_2] : memref<16384xi32, #tpu.memory_space<hbm>> -> memref<512xi32, #tpu.memory_space<hbm>>
      tpu.enqueue_dma source(%dma_start3A_8 : memref<512xi32, #tpu.memory_space<hbm>>) target(%arg5 : memref<512xi32, #tpu.memory_space<vmem>>) target_semaphore(%run_scoped3A : memref<!tpu.dma_semaphore, #tpu.memory_space<semaphore_mem>>)
      %dma_wait3A_9 = tpu.memref_slice %arg3[%mul3A_2] : memref<16384xi32, #tpu.memory_space<hbm>> -> memref<512xi32, #tpu.memory_space<hbm>>
      %dma_wait3A_10 = tpu.memref_slice %arg3[%mul3A_2] : memref<16384xi32, #tpu.memory_space<hbm>> -> memref<512xi32, #tpu.memory_space<hbm>>
      tpu.wait_dma2 semaphore(%run_scoped3A : memref<!tpu.dma_semaphore, #tpu.memory_space<semaphore_mem>>) src(%dma_wait3A_10 : memref<512xi32, #tpu.memory_space<hbm>>) dst(%arg5 : memref<512xi32, #tpu.memory_space<vmem>>)
      tpu.yield
    }) : () -> ()
    %dma_start3A = arith.constant 0 : i32
    %dma_start3A_3 = arith.constant 0 : i32
    %dma_start3A_4 = tpu.memref_slice %arg2[%dma_start3A, %dma_start3A_3] : memref<8192x32xf32, #tpu.memory_space<hbm>> -> memref<8192x32xf32, #tpu.memory_space<hbm>>
    tpu.enqueue_indirect_dma source(%dma_start3A_4 : memref<8192x32xf32, #tpu.memory_space<hbm>>) target(%arg6 : memref<512x32xf32, #tpu.memory_space<vmem>>) offsets(%arg5 : memref<512xi32, #tpu.memory_space<vmem>>) semaphore(%arg7 : memref<!tpu.dma_semaphore, #tpu.memory_space<semaphore_mem>>)
    %dma_wait3A = arith.constant 0 : i32
    %dma_wait3A_5 = arith.constant 0 : i32
    %dma_wait3A_6 = tpu.memref_slice %arg2[%dma_wait3A, %dma_wait3A_5] : memref<8192x32xf32, #tpu.memory_space<hbm>> -> memref<8192x32xf32, #tpu.memory_space<hbm>>
    tpu.wait_indirect_dma semaphore(%arg7 : memref<!tpu.dma_semaphore, #tpu.memory_space<semaphore_mem>>) src(%dma_wait3A_6 : memref<8192x32xf32, #tpu.memory_space<hbm>>) dst(%arg6 : memref<512x32xf32, #tpu.memory_space<vmem>>)
    "tpu.region"() ({
      %run_scoped3A = tpu.sem_alloc : memref<!tpu.dma_semaphore, #tpu.memory_space<semaphore_mem>>
      %dma_start3A_7 = arith.constant 0 : i32
      %dma_start3A_8 = tpu.memref_slice %arg4[%mul3A_2, %dma_start3A_7] : memref<16384x32xf32, #tpu.memory_space<hbm>> -> memref<512x32xf32, #tpu.memory_space<hbm>>
      %dma_start3A_9 = arith.constant 0 : i32
      %dma_start3A_10 = tpu.memref_slice %arg4[%mul3A_2, %dma_start3A_9] : memref<16384x32xf32, #tpu.memory_space<hbm>> -> memref<512x32xf32, #tpu.memory_space<hbm>>
      tpu.enqueue_dma source(%arg6 : memref<512x32xf32, #tpu.memory_space<vmem>>) target(%dma_start3A_10 : memref<512x32xf32, #tpu.memory_space<hbm>>) target_semaphore(%run_scoped3A : memref<!tpu.dma_semaphore, #tpu.memory_space<semaphore_mem>>)
      %dma_wait3A_11 = arith.constant 0 : i32
      %dma_wait3A_12 = tpu.memref_slice %arg4[%mul3A_2, %dma_wait3A_11] : memref<16384x32xf32, #tpu.memory_space<hbm>> -> memref<512x32xf32, #tpu.memory_space<hbm>>
      %dma_wait3A_13 = arith.constant 0 : i32
      %dma_wait3A_14 = tpu.memref_slice %arg4[%mul3A_2, %dma_wait3A_13] : memref<16384x32xf32, #tpu.memory_space<hbm>> -> memref<512x32xf32, #tpu.memory_space<hbm>>
      tpu.wait_dma2 semaphore(%run_scoped3A : memref<!tpu.dma_semaphore, #tpu.memory_space<semaphore_mem>>) src(%arg6 : memref<512x32xf32, #tpu.memory_space<vmem>>) dst(%dma_wait3A_14 : memref<512x32xf32, #tpu.memory_space<hbm>>)
      tpu.yield
    }) : () -> ()
    return
  }
}

module attributes {stable_mosaic.version = 14 : i64} {
  func.func @_encode_body(%arg0: i32, %arg1: memref<768x1024xf32, #tpu.memory_space<vmem>>, %arg2: memref<32x768xf32, #tpu.memory_space<vmem>>, %arg3: memref<32x1xf32, #tpu.memory_space<vmem>>, %arg4: memref<32x8192xf32, #tpu.memory_space<vmem>>, %arg5: memref<1x1x1024xi32, #tpu.memory_space<vmem>>) attributes {dimension_semantics = [#tpu.dimension_semantics<arbitrary>], iteration_bounds = array<i64: 16>, scalar_prefetch = 0 : i64, scratch_operands = 0 : i64, tpu.core_type = #tpu.core_type<tc>, window_params = [{transform_indices = @transform_0, window_bounds = array<i64: 768, 1024>}, {pipeline_mode = #tpu.pipeline_mode<synchronous>, transform_indices = @transform_1, window_bounds = array<i64: 32, 768>}, {pipeline_mode = #tpu.pipeline_mode<synchronous>, transform_indices = @transform_2, window_bounds = array<i64: 32, 1>}, {pipeline_mode = #tpu.pipeline_mode<synchronous>, transform_indices = @transform_3, window_bounds = array<i64: 32, 8192>}, {transform_indices = @transform_4, window_bounds = array<i64: 1, 1, 1024>}]} {
    %get3A = arith.constant 0 : index
    %get3A_0 = arith.constant 0 : index
    %get3A_1 = vector.load %arg2[%get3A, %get3A_0] : memref<32x768xf32, #tpu.memory_space<vmem>>, vector<32x768xf32>
    %get3A_2 = arith.constant 0 : index
    %get3A_3 = arith.constant 0 : index
    %get3A_4 = vector.load %arg1[%get3A_2, %get3A_3] : memref<768x1024xf32, #tpu.memory_space<vmem>>, vector<768x1024xf32>
    %dot_general3A = arith.constant dense<0.000000e+00> : vector<32x1024xf32>
    %dot_general3A_5 = tpu.matmul %get3A_1, %get3A_4, %dot_general3A {dimension_numbers = #tpu.dot_dimension_numbers<[1], [0], [0], [1], [0, 0, 1, 1], [], []>, transpose_lhs_hint = false} : vector<32x768xf32>, vector<768x1024xf32>, vector<32x1024xf32> -> vector<32x1024xf32>
    %get3A_6 = arith.constant 0 : index
    %get3A_7 = arith.constant 0 : index
    %get3A_8 = vector.load %arg3[%get3A_6, %get3A_7] : memref<32x1xf32, #tpu.memory_space<vmem>>, vector<32x1xf32>
    %add3A = vector.broadcast %get3A_8 : vector<32x1xf32> to vector<32x1024xf32>
    %add3A_9 = arith.addf %dot_general3A_5, %add3A : vector<32x1024xf32>
    %mul3A = arith.mulf %add3A_9, %add3A_9 : vector<32x1024xf32>
    %reduce_sum3A = arith.constant dense<0.000000e+00> : vector<1024xf32>
    %reduce_sum3A_10 = vector.multi_reduction <add>, %mul3A, %reduce_sum3A [0] : vector<32x1024xf32> to vector<1024xf32>
    %broadcast_in_dim3A = vector.shape_cast %reduce_sum3A_10 : vector<1024xf32> to vector<1x1024xf32>
    %sqrt3A = math.sqrt %broadcast_in_dim3A : vector<1x1024xf32>
    %max3A = arith.constant 9.99999996E-13 : f32
    %max3A_11 = vector.broadcast %max3A : f32 to vector<1x1024xf32>
    %max3A_12 = arith.maximumf %sqrt3A, %max3A_11 : vector<1x1024xf32>
    %div3A = vector.broadcast %max3A_12 : vector<1x1024xf32> to vector<32x1024xf32>
    %div3A_13 = arith.divf %add3A_9, %div3A : vector<32x1024xf32>
    %mul3A_14 = arith.mulf %div3A_13, %div3A_13 : vector<32x1024xf32>
    %reduce_sum3A_15 = arith.constant dense<0.000000e+00> : vector<1024xf32>
    %reduce_sum3A_16 = vector.multi_reduction <add>, %mul3A_14, %reduce_sum3A_15 [0] : vector<32x1024xf32> to vector<1024xf32>
    %broadcast_in_dim3A_17 = vector.shape_cast %reduce_sum3A_16 : vector<1024xf32> to vector<1x1024xf32>
    %transpose3A = tpu.transpose %broadcast_in_dim3A_17, [1, 0] : vector<1x1024xf32> -> vector<1024x1xf32>
    %get3A_18 = arith.constant 0 : index
    %get3A_19 = arith.constant 0 : index
    %get3A_20 = vector.load %arg4[%get3A_18, %get3A_19] : memref<32x8192xf32, #tpu.memory_space<vmem>>, vector<32x8192xf32>
    %mul3A_21 = arith.mulf %get3A_20, %get3A_20 : vector<32x8192xf32>
    %reduce_sum3A_22 = arith.constant dense<0.000000e+00> : vector<8192xf32>
    %reduce_sum3A_23 = vector.multi_reduction <add>, %mul3A_21, %reduce_sum3A_22 [0] : vector<32x8192xf32> to vector<8192xf32>
    %broadcast_in_dim3A_24 = vector.shape_cast %reduce_sum3A_23 : vector<8192xf32> to vector<1x8192xf32>
    %sqrt3A_25 = math.sqrt %broadcast_in_dim3A_24 : vector<1x8192xf32>
    %max3A_26 = arith.constant 9.99999996E-13 : f32
    %max3A_27 = vector.broadcast %max3A_26 : f32 to vector<1x8192xf32>
    %max3A_28 = arith.maximumf %sqrt3A_25, %max3A_27 : vector<1x8192xf32>
    %div3A_29 = vector.broadcast %max3A_28 : vector<1x8192xf32> to vector<32x8192xf32>
    %div3A_30 = arith.divf %get3A_20, %div3A_29 : vector<32x8192xf32>
    %mul3A_31 = arith.mulf %div3A_30, %div3A_30 : vector<32x8192xf32>
    %reduce_sum3A_32 = arith.constant dense<0.000000e+00> : vector<8192xf32>
    %reduce_sum3A_33 = vector.multi_reduction <add>, %mul3A_31, %reduce_sum3A_32 [0] : vector<32x8192xf32> to vector<8192xf32>
    %broadcast_in_dim3A_34 = vector.shape_cast %reduce_sum3A_33 : vector<8192xf32> to vector<1x8192xf32>
    %iota3A = tpu.iota {dimensions = array<i32: 1>} : vector<1024x2048xi32>
    %sub3A = arith.constant 2048 : i32
    %sub3A_35 = vector.broadcast %sub3A : i32 to vector<1024x2048xi32>
    %sub3A_36 = arith.subi %sub3A_35, %iota3A : vector<1024x2048xi32>
    %broadcast_in_dim3A_37 = arith.constant 0x7F800000 : f32
    %broadcast_in_dim3A_38 = vector.broadcast %broadcast_in_dim3A_37 : f32 to vector<1024xf32>
    %broadcast_in_dim3A_39 = arith.constant 0 : i32
    %broadcast_in_dim3A_40 = vector.broadcast %broadcast_in_dim3A_39 : i32 to vector<1024xi32>
    %slice3A = vector.extract_strided_slice %div3A_30 {offsets = [0, 0], sizes = [32, 2048], strides = [1, 1]} : vector<32x8192xf32> to vector<32x2048xf32>
    %slice3A_41 = vector.extract_strided_slice %broadcast_in_dim3A_34 {offsets = [0, 0], sizes = [1, 2048], strides = [1, 1]} : vector<1x8192xf32> to vector<1x2048xf32>
    %dot_general3A_42 = arith.constant dense<0.000000e+00> : vector<1024x2048xf32>
    %dot_general3A_43 = tpu.matmul %div3A_13, %slice3A, %dot_general3A_42 {dimension_numbers = #tpu.dot_dimension_numbers<[0], [0], [1], [1], [0, 1, 1, 1], [], []>, transpose_lhs_hint = false} : vector<32x1024xf32>, vector<32x2048xf32>, vector<1024x2048xf32> -> vector<1024x2048xf32>
    %mul3A_44 = arith.constant 2.000000e+00 : f32
    %mul3A_45 = vector.broadcast %mul3A_44 : f32 to vector<1024x2048xf32>
    %mul3A_46 = arith.mulf %mul3A_45, %dot_general3A_43 : vector<1024x2048xf32>
    %sub3A_47 = vector.broadcast %transpose3A : vector<1024x1xf32> to vector<1024x2048xf32>
    %sub3A_48 = arith.subf %sub3A_47, %mul3A_46 : vector<1024x2048xf32>
    %add3A_49 = vector.broadcast %slice3A_41 : vector<1x2048xf32> to vector<1024x2048xf32>
    %add3A_50 = arith.addf %sub3A_48, %add3A_49 : vector<1024x2048xf32>
    %reduce_min3A = arith.constant dense<0x7F800000> : vector<1024xf32>
    %reduce_min3A_51 = vector.multi_reduction <minimumf>, %add3A_50, %reduce_min3A [1] : vector<1024x2048xf32> to vector<1024xf32>
    %broadcast_in_dim3A_52 = vector.shape_cast %reduce_min3A_51 : vector<1024xf32> to vector<1024x1xf32>
    %le3A = vector.broadcast %broadcast_in_dim3A_52 : vector<1024x1xf32> to vector<1024x2048xf32>
    %le3A_53 = arith.cmpf ole, %add3A_50, %le3A : vector<1024x2048xf32>
    %jit3A = arith.constant 0 : i32
    %broadcast_in_dim3A_54 = vector.broadcast %jit3A : i32 to vector<1024x2048xi32>
    %select_n3A = arith.select %le3A_53, %sub3A_36, %broadcast_in_dim3A_54 : vector<1024x2048xi1>, vector<1024x2048xi32>
    %reduce_max3A = arith.constant dense<-2147483648> : vector<1024xi32>
    %reduce_max3A_55 = vector.multi_reduction <maxsi>, %select_n3A, %reduce_max3A [1] : vector<1024x2048xi32> to vector<1024xi32>
    %sub3A_56 = arith.constant 2048 : i32
    %sub3A_57 = vector.broadcast %sub3A_56 : i32 to vector<1024xi32>
    %sub3A_58 = arith.subi %sub3A_57, %reduce_max3A_55 : vector<1024xi32>
    %add3A_59 = arith.constant 0 : i32
    %add3A_60 = vector.broadcast %add3A_59 : i32 to vector<1024xi32>
    %add3A_61 = arith.addi %sub3A_58, %add3A_60 : vector<1024xi32>
    %lt3A = arith.cmpf olt, %reduce_min3A_51, %broadcast_in_dim3A_38 : vector<1024xf32>
    %select_n3A_62 = arith.select %lt3A, %reduce_min3A_51, %broadcast_in_dim3A_38 : vector<1024xi1>, vector<1024xf32>
    %select_n3A_63 = arith.select %lt3A, %add3A_61, %broadcast_in_dim3A_40 : vector<1024xi1>, vector<1024xi32>
    %slice3A_64 = vector.extract_strided_slice %div3A_30 {offsets = [0, 2048], sizes = [32, 2048], strides = [1, 1]} : vector<32x8192xf32> to vector<32x2048xf32>
    %slice3A_65 = vector.extract_strided_slice %broadcast_in_dim3A_34 {offsets = [0, 2048], sizes = [1, 2048], strides = [1, 1]} : vector<1x8192xf32> to vector<1x2048xf32>
    %dot_general3A_66 = arith.constant dense<0.000000e+00> : vector<1024x2048xf32>
    %dot_general3A_67 = tpu.matmul %div3A_13, %slice3A_64, %dot_general3A_66 {dimension_numbers = #tpu.dot_dimension_numbers<[0], [0], [1], [1], [0, 1, 1, 1], [], []>, transpose_lhs_hint = false} : vector<32x1024xf32>, vector<32x2048xf32>, vector<1024x2048xf32> -> vector<1024x2048xf32>
    %mul3A_68 = arith.constant 2.000000e+00 : f32
    %mul3A_69 = vector.broadcast %mul3A_68 : f32 to vector<1024x2048xf32>
    %mul3A_70 = arith.mulf %mul3A_69, %dot_general3A_67 : vector<1024x2048xf32>
    %sub3A_71 = vector.broadcast %transpose3A : vector<1024x1xf32> to vector<1024x2048xf32>
    %sub3A_72 = arith.subf %sub3A_71, %mul3A_70 : vector<1024x2048xf32>
    %add3A_73 = vector.broadcast %slice3A_65 : vector<1x2048xf32> to vector<1024x2048xf32>
    %add3A_74 = arith.addf %sub3A_72, %add3A_73 : vector<1024x2048xf32>
    %reduce_min3A_75 = arith.constant dense<0x7F800000> : vector<1024xf32>
    %reduce_min3A_76 = vector.multi_reduction <minimumf>, %add3A_74, %reduce_min3A_75 [1] : vector<1024x2048xf32> to vector<1024xf32>
    %broadcast_in_dim3A_77 = vector.shape_cast %reduce_min3A_76 : vector<1024xf32> to vector<1024x1xf32>
    %le3A_78 = vector.broadcast %broadcast_in_dim3A_77 : vector<1024x1xf32> to vector<1024x2048xf32>
    %le3A_79 = arith.cmpf ole, %add3A_74, %le3A_78 : vector<1024x2048xf32>
    %jit3A_80 = arith.constant 0 : i32
    %broadcast_in_dim3A_81 = vector.broadcast %jit3A_80 : i32 to vector<1024x2048xi32>
    %select_n3A_82 = arith.select %le3A_79, %sub3A_36, %broadcast_in_dim3A_81 : vector<1024x2048xi1>, vector<1024x2048xi32>
    %reduce_max3A_83 = arith.constant dense<-2147483648> : vector<1024xi32>
    %reduce_max3A_84 = vector.multi_reduction <maxsi>, %select_n3A_82, %reduce_max3A_83 [1] : vector<1024x2048xi32> to vector<1024xi32>
    %sub3A_85 = arith.constant 2048 : i32
    %sub3A_86 = vector.broadcast %sub3A_85 : i32 to vector<1024xi32>
    %sub3A_87 = arith.subi %sub3A_86, %reduce_max3A_84 : vector<1024xi32>
    %add3A_88 = arith.constant 2048 : i32
    %add3A_89 = vector.broadcast %add3A_88 : i32 to vector<1024xi32>
    %add3A_90 = arith.addi %sub3A_87, %add3A_89 : vector<1024xi32>
    %lt3A_91 = arith.cmpf olt, %reduce_min3A_76, %select_n3A_62 : vector<1024xf32>
    %select_n3A_92 = arith.select %lt3A_91, %reduce_min3A_76, %select_n3A_62 : vector<1024xi1>, vector<1024xf32>
    %select_n3A_93 = arith.select %lt3A_91, %add3A_90, %select_n3A_63 : vector<1024xi1>, vector<1024xi32>
    %slice3A_94 = vector.extract_strided_slice %div3A_30 {offsets = [0, 4096], sizes = [32, 2048], strides = [1, 1]} : vector<32x8192xf32> to vector<32x2048xf32>
    %slice3A_95 = vector.extract_strided_slice %broadcast_in_dim3A_34 {offsets = [0, 4096], sizes = [1, 2048], strides = [1, 1]} : vector<1x8192xf32> to vector<1x2048xf32>
    %dot_general3A_96 = arith.constant dense<0.000000e+00> : vector<1024x2048xf32>
    %dot_general3A_97 = tpu.matmul %div3A_13, %slice3A_94, %dot_general3A_96 {dimension_numbers = #tpu.dot_dimension_numbers<[0], [0], [1], [1], [0, 1, 1, 1], [], []>, transpose_lhs_hint = false} : vector<32x1024xf32>, vector<32x2048xf32>, vector<1024x2048xf32> -> vector<1024x2048xf32>
    %mul3A_98 = arith.constant 2.000000e+00 : f32
    %mul3A_99 = vector.broadcast %mul3A_98 : f32 to vector<1024x2048xf32>
    %mul3A_100 = arith.mulf %mul3A_99, %dot_general3A_97 : vector<1024x2048xf32>
    %sub3A_101 = vector.broadcast %transpose3A : vector<1024x1xf32> to vector<1024x2048xf32>
    %sub3A_102 = arith.subf %sub3A_101, %mul3A_100 : vector<1024x2048xf32>
    %add3A_103 = vector.broadcast %slice3A_95 : vector<1x2048xf32> to vector<1024x2048xf32>
    %add3A_104 = arith.addf %sub3A_102, %add3A_103 : vector<1024x2048xf32>
    %reduce_min3A_105 = arith.constant dense<0x7F800000> : vector<1024xf32>
    %reduce_min3A_106 = vector.multi_reduction <minimumf>, %add3A_104, %reduce_min3A_105 [1] : vector<1024x2048xf32> to vector<1024xf32>
    %broadcast_in_dim3A_107 = vector.shape_cast %reduce_min3A_106 : vector<1024xf32> to vector<1024x1xf32>
    %le3A_108 = vector.broadcast %broadcast_in_dim3A_107 : vector<1024x1xf32> to vector<1024x2048xf32>
    %le3A_109 = arith.cmpf ole, %add3A_104, %le3A_108 : vector<1024x2048xf32>
    %jit3A_110 = arith.constant 0 : i32
    %broadcast_in_dim3A_111 = vector.broadcast %jit3A_110 : i32 to vector<1024x2048xi32>
    %select_n3A_112 = arith.select %le3A_109, %sub3A_36, %broadcast_in_dim3A_111 : vector<1024x2048xi1>, vector<1024x2048xi32>
    %reduce_max3A_113 = arith.constant dense<-2147483648> : vector<1024xi32>
    %reduce_max3A_114 = vector.multi_reduction <maxsi>, %select_n3A_112, %reduce_max3A_113 [1] : vector<1024x2048xi32> to vector<1024xi32>
    %sub3A_115 = arith.constant 2048 : i32
    %sub3A_116 = vector.broadcast %sub3A_115 : i32 to vector<1024xi32>
    %sub3A_117 = arith.subi %sub3A_116, %reduce_max3A_114 : vector<1024xi32>
    %add3A_118 = arith.constant 4096 : i32
    %add3A_119 = vector.broadcast %add3A_118 : i32 to vector<1024xi32>
    %add3A_120 = arith.addi %sub3A_117, %add3A_119 : vector<1024xi32>
    %lt3A_121 = arith.cmpf olt, %reduce_min3A_106, %select_n3A_92 : vector<1024xf32>
    %select_n3A_122 = arith.select %lt3A_121, %reduce_min3A_106, %select_n3A_92 : vector<1024xi1>, vector<1024xf32>
    %select_n3A_123 = arith.select %lt3A_121, %add3A_120, %select_n3A_93 : vector<1024xi1>, vector<1024xi32>
    %slice3A_124 = vector.extract_strided_slice %div3A_30 {offsets = [0, 6144], sizes = [32, 2048], strides = [1, 1]} : vector<32x8192xf32> to vector<32x2048xf32>
    %slice3A_125 = vector.extract_strided_slice %broadcast_in_dim3A_34 {offsets = [0, 6144], sizes = [1, 2048], strides = [1, 1]} : vector<1x8192xf32> to vector<1x2048xf32>
    %dot_general3A_126 = arith.constant dense<0.000000e+00> : vector<1024x2048xf32>
    %dot_general3A_127 = tpu.matmul %div3A_13, %slice3A_124, %dot_general3A_126 {dimension_numbers = #tpu.dot_dimension_numbers<[0], [0], [1], [1], [0, 1, 1, 1], [], []>, transpose_lhs_hint = false} : vector<32x1024xf32>, vector<32x2048xf32>, vector<1024x2048xf32> -> vector<1024x2048xf32>
    %mul3A_128 = arith.constant 2.000000e+00 : f32
    %mul3A_129 = vector.broadcast %mul3A_128 : f32 to vector<1024x2048xf32>
    %mul3A_130 = arith.mulf %mul3A_129, %dot_general3A_127 : vector<1024x2048xf32>
    %sub3A_131 = vector.broadcast %transpose3A : vector<1024x1xf32> to vector<1024x2048xf32>
    %sub3A_132 = arith.subf %sub3A_131, %mul3A_130 : vector<1024x2048xf32>
    %add3A_133 = vector.broadcast %slice3A_125 : vector<1x2048xf32> to vector<1024x2048xf32>
    %add3A_134 = arith.addf %sub3A_132, %add3A_133 : vector<1024x2048xf32>
    %reduce_min3A_135 = arith.constant dense<0x7F800000> : vector<1024xf32>
    %reduce_min3A_136 = vector.multi_reduction <minimumf>, %add3A_134, %reduce_min3A_135 [1] : vector<1024x2048xf32> to vector<1024xf32>
    %broadcast_in_dim3A_137 = vector.shape_cast %reduce_min3A_136 : vector<1024xf32> to vector<1024x1xf32>
    %le3A_138 = vector.broadcast %broadcast_in_dim3A_137 : vector<1024x1xf32> to vector<1024x2048xf32>
    %le3A_139 = arith.cmpf ole, %add3A_134, %le3A_138 : vector<1024x2048xf32>
    %jit3A_140 = arith.constant 0 : i32
    %broadcast_in_dim3A_141 = vector.broadcast %jit3A_140 : i32 to vector<1024x2048xi32>
    %select_n3A_142 = arith.select %le3A_139, %sub3A_36, %broadcast_in_dim3A_141 : vector<1024x2048xi1>, vector<1024x2048xi32>
    %reduce_max3A_143 = arith.constant dense<-2147483648> : vector<1024xi32>
    %reduce_max3A_144 = vector.multi_reduction <maxsi>, %select_n3A_142, %reduce_max3A_143 [1] : vector<1024x2048xi32> to vector<1024xi32>
    %sub3A_145 = arith.constant 2048 : i32
    %sub3A_146 = vector.broadcast %sub3A_145 : i32 to vector<1024xi32>
    %sub3A_147 = arith.subi %sub3A_146, %reduce_max3A_144 : vector<1024xi32>
    %add3A_148 = arith.constant 6144 : i32
    %add3A_149 = vector.broadcast %add3A_148 : i32 to vector<1024xi32>
    %add3A_150 = arith.addi %sub3A_147, %add3A_149 : vector<1024xi32>
    %lt3A_151 = arith.cmpf olt, %reduce_min3A_136, %select_n3A_122 : vector<1024xf32>
    %select_n3A_152 = arith.select %lt3A_151, %add3A_150, %select_n3A_123 : vector<1024xi1>, vector<1024xi32>
    %broadcast_in_dim3A_153 = vector.shape_cast %select_n3A_152 : vector<1024xi32> to vector<1x1x1024xi32>
    %swap3A = arith.constant 0 : index
    %swap3A_154 = arith.constant 0 : index
    %swap3A_155 = arith.constant 0 : index
    %swap3A_156 = vector.load %arg5[%swap3A, %swap3A_154, %swap3A_155] : memref<1x1x1024xi32, #tpu.memory_space<vmem>>, vector<1x1x1024xi32>
    tpu.vector_store %arg5[%swap3A, %swap3A_154, %swap3A_155], %broadcast_in_dim3A_153 {strides = array<i32>} : memref<1x1x1024xi32, #tpu.memory_space<vmem>>, vector<1x1x1024xi32>,
    return
  }
  func.func @transform_0(%arg0: i32) -> (i32, i32) {
    %c0_i32 = arith.constant 0 : i32
    %c0_i32_0 = arith.constant 0 : i32
    return %c0_i32, %arg0 : i32, i32
  }
  func.func @transform_1(%arg0: i32) -> (i32, i32) {
    %c0_i32 = arith.constant 0 : i32
    %c0_i32_0 = arith.constant 0 : i32
    %c0_i32_1 = arith.constant 0 : i32
    return %c0_i32, %c0_i32_0 : i32, i32
  }
  func.func @transform_2(%arg0: i32) -> (i32, i32) {
    %c0_i32 = arith.constant 0 : i32
    %c0_i32_0 = arith.constant 0 : i32
    %c0_i32_1 = arith.constant 0 : i32
    return %c0_i32, %c0_i32_0 : i32, i32
  }
  func.func @transform_3(%arg0: i32) -> (i32, i32) {
    %c0_i32 = arith.constant 0 : i32
    %c0_i32_0 = arith.constant 0 : i32
    %c0_i32_1 = arith.constant 0 : i32
    return %c0_i32, %c0_i32_0 : i32, i32
  }
  func.func @transform_4(%arg0: i32) -> (i32, i32, i32) {
    %c0_i32 = arith.constant 0 : i32
    %c0_i32_0 = arith.constant 0 : i32
    %c0_i32_1 = arith.constant 0 : i32
    return %arg0, %c0_i32, %c0_i32_0 : i32, i32, i32
  }
}

module attributes {stable_mosaic.version = 14 : i64} {
  func.func @_decode_body(%arg0: i32, %arg1: memref<1024x32xf32, #tpu.memory_space<vmem>>, %arg2: memref<768x32xf32, #tpu.memory_space<vmem>>, %arg3: memref<768x1xf32, #tpu.memory_space<vmem>>, %arg4: memref<768x1024xf32, #tpu.memory_space<vmem>>) attributes {dimension_semantics = [#tpu.dimension_semantics<arbitrary>], iteration_bounds = array<i64: 16>, scalar_prefetch = 0 : i64, scratch_operands = 0 : i64, tpu.core_type = #tpu.core_type<tc>, window_params = [{transform_indices = @transform_0, window_bounds = array<i64: 1024, 32>}, {pipeline_mode = #tpu.pipeline_mode<synchronous>, transform_indices = @transform_1, window_bounds = array<i64: 768, 32>}, {pipeline_mode = #tpu.pipeline_mode<synchronous>, transform_indices = @transform_2, window_bounds = array<i64: 768, 1>}, {transform_indices = @transform_3, window_bounds = array<i64: 768, 1024>}]} {
    %get3A = arith.constant 0 : index
    %get3A_0 = arith.constant 0 : index
    %get3A_1 = vector.load %arg2[%get3A, %get3A_0] : memref<768x32xf32, #tpu.memory_space<vmem>>, vector<768x32xf32>
    %get3A_2 = arith.constant 0 : index
    %get3A_3 = arith.constant 0 : index
    %get3A_4 = vector.load %arg1[%get3A_2, %get3A_3] : memref<1024x32xf32, #tpu.memory_space<vmem>>, vector<1024x32xf32>
    %dot_general3A = arith.constant dense<0.000000e+00> : vector<768x1024xf32>
    %dot_general3A_5 = tpu.matmul %get3A_1, %get3A_4, %dot_general3A {dimension_numbers = #tpu.dot_dimension_numbers<[1], [1], [0], [0], [0, 0, 1, 0], [], []>, transpose_lhs_hint = false} : vector<768x32xf32>, vector<1024x32xf32>, vector<768x1024xf32> -> vector<768x1024xf32>
    %get3A_6 = arith.constant 0 : index
    %get3A_7 = arith.constant 0 : index
    %get3A_8 = vector.load %arg3[%get3A_6, %get3A_7] : memref<768x1xf32, #tpu.memory_space<vmem>>, vector<768x1xf32>
    %add3A = vector.broadcast %get3A_8 : vector<768x1xf32> to vector<768x1024xf32>
    %add3A_9 = arith.addf %dot_general3A_5, %add3A : vector<768x1024xf32>
    %swap3A = arith.constant 0 : index
    %swap3A_10 = arith.constant 0 : index
    %swap3A_11 = vector.load %arg4[%swap3A, %swap3A_10] : memref<768x1024xf32, #tpu.memory_space<vmem>>, vector<768x1024xf32>
    tpu.vector_store %arg4[%swap3A, %swap3A_10], %add3A_9 {strides = array<i32>} : memref<768x1024xf32, #tpu.memory_space<vmem>>, vector<768x1024xf32>,
    return
  }
  func.func @transform_0(%arg0: i32) -> (i32, i32) {
    %c0_i32 = arith.constant 0 : i32
    %c0_i32_0 = arith.constant 0 : i32
    return %arg0, %c0_i32 : i32, i32
  }
  func.func @transform_1(%arg0: i32) -> (i32, i32) {
    %c0_i32 = arith.constant 0 : i32
    %c0_i32_0 = arith.constant 0 : i32
    %c0_i32_1 = arith.constant 0 : i32
    return %c0_i32, %c0_i32_0 : i32, i32
  }
  func.func @transform_2(%arg0: i32) -> (i32, i32) {
    %c0_i32 = arith.constant 0 : i32
    %c0_i32_0 = arith.constant 0 : i32
    %c0_i32_1 = arith.constant 0 : i32
    return %c0_i32, %c0_i32_0 : i32, i32
  }
  func.func @transform_3(%arg0: i32) -> (i32, i32) {
    %c0_i32 = arith.constant 0 : i32
    %c0_i32_0 = arith.constant 0 : i32
    return %c0_i32, %arg0 : i32, i32
  }
}

</mosaic_0001>

<sc_bundles>
// kernel: kernel.5.cloned.1.call-start
scs
__scs_entry_jumppad:
0x0: {  	(pc) =	sbr.rel $0x88, $3  }
0x1: {  	(tag) =	ssettag $0x0;
	lr =	simm.s32 $0x1  }
0x2: {  	[smem:$0x3F9B] =	sst lr;
	_ =	strace $0xD0000000  }
0x3: {  	_ = 	snop  }
0x4: {  	_ = 	snop  }
0x5: {  	_ = 	snop  }
0x6: {  	_ = 	snop  }
0x7: {  	_ = 	snop  }
__scs_overlays_trampoline_lowered:
0x8: {  	[smem:$0x3FAA] =	sst s0  }
0x9: {  	[smem:$0x3FAB] =	sst s1  }
0xa: {  	[smem:$0x3FAC] =	sst s2  }
0xb: {  	[smem:$0x3FAD] =	sst s3  }
0xc: {  	[smem:$0x3FAE] =	sst s4  }
0xd: {  	[smem:$0x3FAF] =	sst s5  }
0xe: {  	[smem:$0x3FB0] =	sst s6  }
0xf: {  	[smem:$0x3FB1] =	sst s7  }
0x10: {  	[smem:$0x3FB2] =	sst s8  }
0x11: {  	[smem:$0x3FB3] =	sst s9;
	s0 =	simm.s32 @!p0 $0x0  }
0x12: {  	s1 =	sld [smem:$0x3F99];
	s0 =	simm.s32 @p0 $0x1  }
0x13: {  	[smem:$0x3FB4] =	sst s0;
	s0 =	simm.s32 @!p1 $0x0  }
0x14: {  	s2 =	sld [smem:$0x3F98];
	s0 =	simm.s32 @p1 $0x1  }
0x15: {  	[smem:$0x3FB5] =	sst s0;
	s0 =	simm.s32 @!p2 $0x0  }
0x16: {  	s3 =	sld [smem:$0x3FDB];
	s0 =	simm.s32 @p2 $0x1  }
0x17: {  	s4 =	simm.s32 $0x1BF5;
	[smem:$0x3FB7] =	sst s0  }
0x18: {  	s0 =	sld [smem:$0x3F9A];
	_ =	swait.ge [sflag:s4], $0x0  }
0x19: {  	s7 =	sld [smem:$0x3F9B]  }
0x1a: {  	s8 =	sadd.s32 $0xFFFFE003, lr  }
0x1b: {  	s9 =	sadd.s32 $0xFFFFFEF7, lr;
	s5 =	simm.s32 $0xFFFFFFFF;
	p2 =	slt.u32 s8, $0xFFFFF086  }
0x1c: {  	p1 =	slt.u32 s9, $0xF7A;
	s5 =	simm.s32 @!p2 $0x0  }
0x1d: {  	s5 =	simm.s32 @p1 $0x1;
	p0 =	seq.s32 s7, s2  }
0x1e: {  	s7 =	smul.u32 @!p0 $0xF7A, s2;
	p2 =	seq.s32 @!p0 s5, $0x0  }
0x1f: {  	s9 =	smul.u32 $0xF7A, s1;
	s8 =	simm.s32 @!p0 $0x1BF5;
	p2 =	por !p2, p0  }
0x20: {  	[sflag:s8] =	ssyncset.s32 @!p0 $0xFFFFF086;
	s6 =	sadd.s32 @!p0 s3, s7;
	s7 =	simm.s32 @!p0 $0x108  }
0x21: {  	s3 =	sadd.s32 s3, s9;
	s6 =	sadd.s32 @!p0 $0x88, s6;
	s7 =	simm.s32 @p2 $0x1082  }
0x22: {  	[simem:s7], [sflag:s8] =	dma.local @!p0 [hbm:s6], $0xF7A  }
0x23: {  	s9 =	sor.u32 $0xD0000000, s2;
	s6 =	simm.s32 $0x108;
	_ =	swait.ge @!p0 [sflag:s8], $0x0  }
0x24: {  	s3 =	sadd.s32 $0x88, s3;
	s6 =	simm.s32 @!p1 $0x1082;
	[sflag:s4] =	ssyncset.s32 $0xFFFFF086  }
0x25: {  	[simem:s6], [sflag:s4] =	dma.local [hbm:s3], $0xF7A  }
0x26: {  	[smem:$0x3F9B] =	sst s1;
	(tag) =	ssettag s2;
	_ =	strace s9  }
0x27: {  	s1 =	sld [smem:$0x3FAB]  }
0x28: {  	s2 =	sld [smem:$0x3FAC]  }
0x29: {  	s4 =	sld [smem:$0x3FAE]  }
0x2a: {  	p0 =	seq.s32 s5, $0x0;
	s5 =	sld [smem:$0x3FAF]  }
0x2b: {  	s6 =	sld [smem:$0x3FB0]  }
0x2c: {  	s7 =	sld [smem:$0x3FB1]  }
0x2d: {  	s3 =	simm.s32 $0x108;
	s8 =	sld [smem:$0x3FB2]  }
0x2e: {  	s3 =	simm.s32 @!p0 $0x1082;
	s9 =	sld [smem:$0x3FB3]  }
0x2f: {  	lr =	sadd.s32 s0, s3;
	s0 =	sld [smem:$0x3FAA]  }
0x30: {  	s3 =	sld [smem:$0x3FAD]  }
0x31: {  	[smem:$0x3FB6] =	sst s10  }
0x32: {  	s10 =	sld [smem:$0x3FB4];
	_ =	sdelay $0x3  }
0x33: {  	p0 =	seq.s32 s10, $0x1;
	s10 =	sld [smem:$0x3FB6];
	_ =	sdelay $0x3  }
0x34: {  	[smem:$0x3FB6] =	sst s10  }
0x35: {  	s10 =	sld [smem:$0x3FB5];
	_ =	sdelay $0x3  }
0x36: {  	p1 =	seq.s32 s10, $0x1;
	s10 =	sld [smem:$0x3FB6];
	_ =	sdelay $0x3  }
0x37: {  	[smem:$0x3FB6] =	sst s10  }
0x38: {  	s10 =	sld [smem:$0x3FB7]  }
0x39: {  	_ = 	snop;
	(pc) =	sbr.ind lr, $3  }
0x3a: {  	_ = 	snop  }
0x3b: {  	_ = 	snop  }
0x3c: {  	p2 =	seq.s32 s10, $0x1;
	s10 =	sld [smem:$0x3FB6]  }
0x3d: {  	_ =	shalt  }
0x3e: {  	_ =	shalt  }
0x3f: {  	_ =	shalt  }
0x40: {  	_ =	shalt  }
0x41: {  	_ =	shalt  }
0x42: {  	_ =	shalt  }
0x43: {  	_ =	shalt  }
0x44: {  	_ =	shalt  }
0x45: {  	_ =	shalt  }
0x46: {  	_ =	shalt  }
0x47: {  	_ =	shalt  }
0x48: {  	_ =	shalt  }
0x49: {  	_ =	shalt  }
0x4a: {  	_ =	shalt  }
0x4b: {  	_ =	shalt  }
0x4c: {  	_ =	shalt  }
0x4d: {  	_ =	shalt  }
0x4e: {  	_ =	shalt  }
0x4f: {  	_ =	shalt  }
0x50: {  	_ =	shalt  }
0x51: {  	_ =	shalt  }
0x52: {  	_ =	shalt  }
0x53: {  	_ =	shalt  }
0x54: {  	_ =	shalt  }
0x55: {  	_ =	shalt  }
0x56: {  	_ =	shalt  }
0x57: {  	_ =	shalt  }
0x58: {  	_ =	shalt  }
0x59: {  	_ =	shalt  }
0x5a: {  	_ =	shalt  }
0x5b: {  	_ =	shalt  }
0x5c: {  	_ =	shalt  }
0x5d: {  	_ =	shalt  }
0x5e: {  	_ =	shalt  }
0x5f: {  	_ =	shalt  }
0x60: {  	_ =	shalt  }
0x61: {  	_ =	shalt  }
0x62: {  	_ =	shalt  }
0x63: {  	_ =	shalt  }
0x64: {  	_ =	shalt  }
0x65: {  	_ =	shalt  }
0x66: {  	_ =	shalt  }
0x67: {  	_ =	shalt  }
0x68: {  	_ =	shalt  }
0x69: {  	_ =	shalt  }
0x6a: {  	_ =	shalt  }
0x6b: {  	_ =	shalt  }
0x6c: {  	_ =	shalt  }
0x6d: {  	_ =	shalt  }
0x6e: {  	_ =	shalt  }
0x6f: {  	_ =	shalt  }
0x70: {  	_ =	shalt  }
0x71: {  	_ =	shalt  }
0x72: {  	_ =	shalt  }
0x73: {  	_ =	shalt  }
0x74: {  	_ =	shalt  }
0x75: {  	_ =	shalt  }
0x76: {  	_ =	shalt  }
0x77: {  	_ =	shalt  }
0x78: {  	_ =	shalt  }
0x79: {  	_ =	shalt  }
0x7a: {  	_ =	shalt  }
0x7b: {  	_ =	shalt  }
0x7c: {  	_ =	shalt  }
0x7d: {  	_ =	shalt  }
0x7e: {  	_ =	shalt  }
0x7f: {  	_ =	shalt  }
0x80: {  	_ =	shalt  }
0x81: {  	_ =	shalt  }
0x82: {  	_ =	shalt  }
0x83: {  	_ =	shalt  }
0x84: {  	_ =	shalt  }
0x85: {  	_ =	shalt  }
0x86: {  	_ =	shalt  }
0x87: {  	_ =	shalt  }
.Lfunc_end0:
.L_simem_size_0:
called_computation_lowered:
.L_overlay_start_0:
0x88: {  	s2 =	sld [smem:$0x3FD9]  }
0x89: {  	s3 =	sld [smem:$0x3FFE];
	_ =	sdelay $0x1  }
0x8a: {  	s1 =	srdreg.scid  }
0x8b: {  	s0 =	sand.u32 $0x1, s1  }
0x8c: {  	s14 =	sshll.u32 s0, $0xA;
	s2 =	sadd.s32 s3, s2  }
0x8d: {  	s2 =	sadd.s32 s2, s14  }
0x8e: {  	[smem:$0x3FC2] =	sst s2  }
0x8f: {  	_ = 	snop  }
0x90: {  	s2 =	sld [smem:$0x3FD0];
	_ =	sdelay $0x2  }
0x91: {  	s15 =	simm.s32 $0xA;
	s4 =	simm.s32 $0x10  }
0x92: {  	[smem:s4], [sflag:s15] =	dma.local [hbm:s2], $0x1  }
0x93: {  	_ =	swait.eq [sflag:s15], $0x1  }
0x94: {  	[sflag:s15] =	ssyncset.done $0x0  }
0x95: {  	s16 =	sld [smem:$0x10];
	[sflag:s15] =	ssyncadd.s32 $0xFFFFFFFF  }
0x96: {  	s17 =	sld [smem:$0x11];
	(tm) =	ssettm $0x1  }
0x97: {  	s18 =	sld [smem:$0x3FFB];
	_ =	sdelay $0x3  }
0x98: {  	_ =	strace s18  }
0x99: {  	s4 =	sld [smem:$0x3FFC];
	_ =	sdelay $0x3  }
0x9a: {  	_ =	strace s4  }
0x9b: {  	s4 =	sld [smem:$0x3FFD];
	_ =	sdelay $0x3  }
0x9c: {  	_ =	strace s4  }
0x9d: {  	_ =	strace $0x8FFFFFFF  }
0x9e: {  	s19 =	sld [smem:$0x3FDB];
	_ =	sdelay $0x1  }
0x9f: {  	s5 =	simm.s32 $_scs_section_size  }
0xa0: {  	s6 =	simm.s32 $_size__tile_overlayer_lowered;
	s7 =	simm.s32 $_tile_overlayer_lowered  }
0xa1: {  	s22 =	simm.s32 $0x1BFF;
	s21 =	sshll.u32 s7, $0x1;
	s4 =	sadd.s32 s5, s19  }
0xa2: {  	s8 =	simm.s32 $0x0;
	s20 =	sshll.u32 s6, $0x1;
	s6 =	sadd.s32 s21, s4  }
0xa3: {  	[timem:s8], [sflag:s22] =	dma.local [hbm:s6], s20  }
0xa4: {  	_ =	swait.ge [sflag:s22], s20  }
0xa5: {  	s5 =	ssub.s32 $0x0, s20;
	[sflag:s22] =	ssyncset.done $0x0  }
0xa6: {  	[sflag:s22] =	ssyncadd.s32 s5;
	_ =	sdelay $0x1  }
0xa7: {  	s23 =	simm.s32 $0x1B8B  }
0xa8: {  	_ =	swait.ge [sflag:s23], $0x1  }
0xa9: {  	[sflag:s23] =	ssyncset.done $0x0  }
0xaa: {  	s25 =	simm.s32 $0x1B8E;
	s24 =	sld [smem:$0x3FFE];
	[sflag:s23] =	ssyncadd.s32 $0xFFFFFFFF  }
0xab: {  	s26 =	simm.s32 $execute0_lowered;
	[smem:$0x3FD2] =	sst s25  }
0xac: {  	s6 =	sshll.u32 s26, $0x1;
	_ =	strace $0x80000046;
	[dreg:$0x1] =	wrdreg $0xFFFFFFFF  }
0xad: {  	s28 =	simm.s32 $_size_execute0_lowered;
	s4 =	sadd.s32 s4, s6;
	[dreg:$0x0] =	wrdreg $0x0  }
0xae: {  	s6 =	sshll.u32 s28, $0x1;
	[dreg:$0x2] =	wrdreg s4  }
0xaf: {  	[dreg:$0x3] =	wrdreg s6  }
0xb0: {  	[dreg:$0x4] =	wrdreg $0xC0  }
0xb1: {  	_ =	task [dreg:s8], $0x5FFFF  }
0xb2: {  	[dreg:$0x1] =	wrdreg $0xFFFFFFFF  }
0xb3: {  	[dreg:$0x0] =	wrdreg $0x60  }
0xb4: {  	[dreg:$0x2] =	wrdreg s24  }
0xb5: {  	[dreg:$0x3] =	wrdreg s17  }
0xb6: {  	[dreg:$0x4] =	wrdreg s16  }
0xb7: {  	[dreg:$0x5] =	wrdreg $0x9  }
0xb8: {  	_ =	task.clear_ibuf [dreg:s8], $0x6FFFF;
	_ =	strace $0x90000046  }
0xb9: {  	s29 =	simm.s32 $0x9;
	_ =	strace $0x80000048  }
0xba: {  	_ =	swait.ge [sflag:s29], $0x1  }
0xbb: {  	[sflag:s29] =	ssyncadd.s32 $0xFFFFFFFF  }
0xbc: {  	_ =	strace $0x90000048  }
0xbd: {  	_ =	sfence  }
0xbe: {  	s30 =	sld [smem:$0x0];
	_ =	sdelay $0x2  }
0xbf: {  	s31 =	sshll.u32 s1, $0xD;
	s1 =	sshrl.u32 s1, $0x2  }
0xc0: {  	s3 =	sand.u32 $0x4000, s31;
	s1 =	sadd.s32 s1, s30  }
0xc1: {  	s0 =	sor.u32 s3, s0;
	s1 =	sshll.u32 s1, $0x11  }
0xc2: {  	s0 =	sor.u32 s1, s0  }
0xc3: {  	s0 =	sadd.s32 $0x8F2B, s0  }
0xc4: {  	[sflag:s0] =	ssyncadd.remote.s32 $0x1  }
0xc5: {  	_ =	sfence.sel $0xFFFF  }
0xc6: {  	[dreg:$0x0] =	wrdreg $0xFFFFFFFF;
	(pc) =	sbr.abs _section_cstart, $3  }
0xc7: {  	[dreg:$0x1] =	wrdreg $0xFFFFFFFF  }
0xc8: {  	_ =	task.clear_ibuf [dreg:s8], $0x2FFFF;
	_ =	strace $0x9FFFFFFF  }
0xc9: {  	(tm) =	ssettm $0x7FFFFFFF  }
tec
execute0_lowered:
.L_overlay_start_1:
0x0: {  	(tag) =	ssettag $0x1  }
0x1: {  	s5 =	rddreg [dreg:$0x0]  }
0x2: {  	s1 =	srdreg.scid;
	s3 =	rddreg [dreg:$0x1]  }
0x3: {  	s0 =	stileid.u32;
	s8 =	rddreg [dreg:$0x2];
	s6 =	sand.u32 $0x1, s1  }
0x4: {  	s2 =	simm.s32 $0x0;
	s4 =	sshll.u32 s0, $0xA;
	s7 =	sshll.u32 s6, $0x9  }
0x5: {  	[smem:$0x7FF] =	sst s2;
	s9 =	sor.u32 s7, s4  }
0x6: {  	s1 =	rddreg [dreg:$0x3];
	_ =	strace $0x80000047;
	s4 =	sshrl.u32 s9, $0x3  }
0x7: {  	s10 =	ssub.s32 $0x2, s6;
	s4 =	sadd.s32 s3, s4;
	s3 =	simm.s32 $0x2  }
0x8: {  	[tilespmem:s2], [sflag:$0x2] =	stream.linear.gather [hbm4b:s4+s2], $0x200, $0x38;
	[tilespmem:$0x4200] =	vst v63  }
0x9: {  	s5 =	sadd.s32 $0xC00, s5;
	s11 =	sshrl.u32 s10, $0x1;
	_ =	swait.ge [sflag:s3], $0x200  }
0xa: {  	s6 =	simm.s32 $0x200;
	s10 =	ssub.s32 s10, s11;
	[sflag:s3] =	ssyncset.done $0x0  }
0xb: {  	s7 =	simm.s32 $0x1;
	s31 =	smax.u32 s10, $0x1;
	[sflag:s3] =	ssyncadd.s32 $0xFFFFFE00  }
0xc: {  	[tilespmem:s6], [sflag:$0x1] =	stream.indirect.gather [hbm4b:s5+s6], $0x20, s2, s6, $0xb8;
	[tilespmem:$0x4200] =	vst v63  }
0xd: {  	p0 =	sne.s32 s31, $0x1;
	_ =	swait.ge [sflag:s7], $0x4000  }
.Ltmp0:
0xe: {  	s9 =	sshll.u32 s9, $0x2;
	[sflag:s7] =	ssyncset.done $0x0;
	(pc) =	sbr.rel @!p0 .LBB2_2-.Ltmp0, $4  }
0xf: {  	s8 =	sadd.s32 s8, s9;
	[sflag:s7] =	ssyncadd.s32 $0xFFFFC000  }
0x10: {  	[hbm4b:s8+s2] =	stream.linear.scatter [tilespmem:s6], [sflag:$0x2], $0x4000, $0x38;
	[tilespmem:$0x4200] =	vst v63  }
0x11: {  	_ =	swait.ge [sflag:s3], $0x4000  }
0x12: {  	s9 =	sadd.s32 $0xFFFFFFFF, s31;
	[sflag:s3] =	ssyncset.done $0x0  }
.LBB2_1:
0x13: {  	p0 =	sne.s32 s9, $0x1;
	s9 =	sadd.s32 $0xFFFFFFFF, s9;
	[sflag:s3] =	ssyncadd.s32 $0xFFFFC000  }
0x14: {  	[tilespmem:s2], [sflag:$0x2] =	stream.linear.gather [hbm4b:s4+s2], $0x200, $0x38;
	[tilespmem:$0x4200] =	vst v63  }
0x15: {  	_ =	swait.ge [sflag:s3], $0x200  }
0x16: {  	[sflag:s3] =	ssyncset.done $0x0  }
0x17: {  	[sflag:s3] =	ssyncadd.s32 $0xFFFFFE00  }
0x18: {  	[tilespmem:s6], [sflag:$0x1] =	stream.indirect.gather [hbm4b:s5+s6], $0x20, s2, s6, $0xb8;
	[tilespmem:$0x4200] =	vst v63  }
0x19: {  	_ =	swait.ge [sflag:s7], $0x4000  }
.Ltmp1:
0x1a: {  	[sflag:s7] =	ssyncset.done $0x0;
	(pc) =	sbr.rel @p0 .LBB2_1-.Ltmp1, $4  }
0x1b: {  	[sflag:s7] =	ssyncadd.s32 $0xFFFFC000  }
0x1c: {  	[hbm4b:s8+s2] =	stream.linear.scatter [tilespmem:s6], [sflag:$0x2], $0x4000, $0x38;
	[tilespmem:$0x4200] =	vst v63  }
0x1d: {  	_ =	swait.ge [sflag:s3], $0x4000  }
0x1e: {  	[sflag:s3] =	ssyncset.done $0x0  }
.LBB2_2:
0x1f: {  	[sflag:s3] =	ssyncadd.s32 $0xFFFFC000  }
0x20: {  	_ =	sfence.sel $0x180000  }
0x21: {  	[bflag:$0x0] =	sbarrier.arrive $0xFFFF  }
0x22: {  	p0 =	sne.s32 s0, $0x0;
	_ =	strace $0x90000047  }
0x23: {  	s0 =	sadd.s32 @!p0 $0x100000, s1;
	[bflag:$0x2] =	sbarrier.arrive $0xFFFF  }
0x24: {  	[sflag:s0] =	ssyncadd.tile.s32 @!p0 $0x1;
	_ =	shalt  }
.Lfunc_end2:
_tile_overlayer_lowered:
.L_overlay_start_2:
0x25: {  	(tag) =	ssettag $0x2  }
0x26: {  	s0 =	rddreg [dreg:$0x0];
	s2 =	stileid.u32  }
0x27: {  	s1 =	rddreg [dreg:$0x1];
	p0 =	sne.s32 s2, $0x0  }
0x28: {  	s3 =	rddreg [dreg:$0x2];
	[bflag:$0x3] =	sbarrier.arrive $0xFFFF;
	s2 =	simm.s32 @!p0 $0x1C02  }
0x29: {  	[timem:s3], [sflag:s2] =	dma.local @!p0 [hbm:s0], s1  }
0x2a: {  	s0 =	simm.s32 @!p0 $0x2  }
0x2b: {  	_ =	swait.ge @!p0 [sflag:s0], s1  }
0x2c: {  	s1 =	ssub.s32 @!p0 $0x0, s1;
	[sflag:s0] =	ssyncset.done @!p0 $0x0  }
0x2d: {  	[sflag:s0] =	ssyncadd.s32 @!p0 s1  }
0x2e: {  	[bflag:$0x3] =	sbarrier.arrive $0xFFFF  }
0x2f: {  	_ =	shalt  }

</sc_bundles>
